<compile_context>
chip_gen: v7x
topology: tpu7x:2x2x1
jax: 0.10.2.dev20260603
libtpu: 0.0.44.dev20260713+nightly
codegen_flags: <defaults>
</compile_context>

<pallas_src>
import functools

import jax
import jax.numpy as jnp
from jax import lax
from jax.experimental import pallas as pl
from jax.experimental.pallas import tpu as pltpu
from jax.experimental.pallas import tpu_sc as plsc

_EPS = 1e-5
_NC = 2
_NS = 16
_NW = _NC * _NS
_CHUNK = 128


def _sc_gather(table, idx2d, latent):
    Bb, L = idx2d.shape
    rows_per_w = Bb // _NW
    c1 = min(L, _CHUNK)
    c2 = L - c1
    n_idx = Bb * L
    mesh = plsc.VectorSubcoreMesh(core_axis_name="c", subcore_axis_name="s")

    @functools.partial(
        pl.kernel,
        mesh=mesh,
        out_type=jax.ShapeDtypeStruct((n_idx, latent), jnp.float32),
        scratch_types=[
            pltpu.VMEM((rows_per_w, L), jnp.int32),
            pltpu.VMEM((2, c1, latent), jnp.float32),
            pltpu.VMEM((2, c2, latent), jnp.float32),
            pltpu.SemaphoreType.DMA((2,)),
            pltpu.SemaphoreType.DMA((2,)),
        ],
        compiler_params=pltpu.CompilerParams(use_tc_tiling_on_sc=False),
    )
    def k(table_hbm, idx_hbm, out_hbm, idx_v, bufA, bufB, semA, semB):
        wid = lax.axis_index("s") * _NC + lax.axis_index("c")
        row0 = wid * rows_per_w
        base = row0 * L
        pltpu.sync_copy(idx_hbm.at[pl.ds(row0, rows_per_w)], idx_v)

        def start(r, slot):
            pltpu.async_copy(table_hbm.at[idx_v.at[r, pl.ds(0, c1)]],
                             bufA.at[slot], semA.at[slot])
            pltpu.async_copy(table_hbm.at[idx_v.at[r, pl.ds(c1, c2)]],
                             bufB.at[slot], semB.at[slot])

        def wait(r, slot):
            pltpu.make_async_copy(table_hbm.at[idx_v.at[r, pl.ds(0, c1)]],
                                  bufA.at[slot], semA.at[slot]).wait()
            pltpu.make_async_copy(table_hbm.at[idx_v.at[r, pl.ds(c1, c2)]],
                                  bufB.at[slot], semB.at[slot]).wait()

        start(0, 0)

        def body(r, carry):
            slot = lax.rem(r, 2)

            @pl.when(r + 1 < rows_per_w)
            def _():
                start(r + 1, lax.rem(r + 1, 2))

            wait(r, slot)
            pltpu.sync_copy(bufA.at[slot], out_hbm.at[pl.ds(base + r * L, c1)])
            pltpu.sync_copy(bufB.at[slot],
                            out_hbm.at[pl.ds(base + r * L + c1, c2)])
            return carry

        lax.fori_loop(0, rows_per_w, body, 0)

    return k(table, idx2d)


def _tc_dense(seq_rep, aa2w, Wst, bs, Wtt, bt):
    B, L, D = seq_rep.shape
    latent = aa2w.shape[-1] // 2
    H = L // 2
    bB = 32
    grid = (B // bB,)

    def body(seq_ref, aa_ref, wst_ref, bs_ref, wtt_ref, bt_ref, out_ref):
        x = seq_ref[...]
        m = jnp.mean(x, axis=-1, keepdims=True)
        xc = x - m
        v = jnp.mean(xc * xc, axis=-1, keepdims=True)
        xn = xc * lax.rsqrt(v + _EPS)
        tok = jnp.dot(xn.reshape(bB * L, D), wtt_ref[...],
                      preferred_element_type=jnp.float32)
        sm = jnp.mean(x, axis=1)
        m2 = jnp.mean(sm, axis=-1, keepdims=True)
        sc = sm - m2
        v2 = jnp.mean(sc * sc, axis=-1, keepdims=True)
        sn = sc * lax.rsqrt(v2 + _EPS)
        se = jnp.dot(sn, wst_ref[...], preferred_element_type=jnp.float32)
        se = (se + bs_ref[...] + bt_ref[...]).reshape(bB, 1, latent)
        tot = tok.reshape(bB, L, latent) + se
        totp = tot.reshape(bB, H, 2, latent)
        pk = jnp.concatenate([totp[:, :, 0, :], totp[:, :, 1, :]], axis=-1)
        out_ref[...] = pk + aa_ref[...].reshape(bB, H, 2 * latent)

    return pl.pallas_call(
        body,
        grid=grid,
        in_specs=[
            pl.BlockSpec((bB, L, D), lambda i: (i, 0, 0)),
            pl.BlockSpec((bB * H, 2 * latent), lambda i: (i, 0)),
            pl.BlockSpec((D, latent), lambda i: (0, 0)),
            pl.BlockSpec((1, latent), lambda i: (0, 0)),
            pl.BlockSpec((D, latent), lambda i: (0, 0)),
            pl.BlockSpec((1, latent), lambda i: (0, 0)),
        ],
        out_specs=pl.BlockSpec((bB, H, 2 * latent), lambda i: (i, 0, 0)),
        out_shape=jax.ShapeDtypeStruct((B, H, 2 * latent), jnp.float32),
    )(seq_rep, aa2w, Wst, bs, Wtt, bt)


def kernel(aa_types, seq_rep, aa_table, W_seq, b_seq, W_tok, b_tok,
           g_seq, be_seq, g_tok, be_tok):
    B, L, D = seq_rep.shape
    latent = aa_table.shape[-1]
    aa_flat = _sc_gather(aa_table, aa_types.astype(jnp.int32), latent)
    aa2w = aa_flat.reshape(B * L // 2, 2 * latent)
    Wg_seq = g_seq[:, None] * W_seq.T
    b2_seq = be_seq @ W_seq.T + b_seq
    Wg_tok = g_tok[:, None] * W_tok.T
    b2_tok = be_tok @ W_tok.T + b_tok
    out2w = _tc_dense(
        seq_rep, aa2w,
        Wg_seq, b2_seq.reshape(1, -1),
        Wg_tok, b2_tok.reshape(1, -1),
    )
    return out2w.reshape(B, L, latent)

# --- scband reference (transcript-rebuilt; emitter-appended) ---
"""Pipeline reference for scband-seq-embedder-78675210928271 (READ-ONLY COPY).

The authoritative reference and input builder live on the scoring server;
editing this copy changes nothing except your own understanding.
"""

import jax, jax.numpy as jnp
import numpy as np

AA_NUMS = 100000
SEQ_DIM = 128
LATENT = 64
B = 1024
L = 200

def layernorm(x, g, b, eps=1e-5):
    m = jnp.mean(x, axis=-1, keepdims=True)
    v = jnp.mean((x - m) ** 2, axis=-1, keepdims=True)
    return (x - m) / jnp.sqrt(v + eps) * g + b

def setup_inputs(seed: int = 0) -> dict:
    key = jax.random.key(seed)
    ks = jax.random.split(key, 6)
    return {
        "aa_types": jax.random.randint(ks[0], (B, L), 0, AA_NUMS),
        "seq_rep": jax.random.normal(ks[1], (B, L, SEQ_DIM), dtype=jnp.float32),
        "aa_table": jax.random.normal(ks[2], (AA_NUMS, LATENT), dtype=jnp.float32) * 0.02,
        "W_seq": jax.random.normal(ks[3], (LATENT, SEQ_DIM), dtype=jnp.float32) * 0.02,
        "b_seq": jnp.zeros((LATENT,), dtype=jnp.float32),
        "W_tok": jax.random.normal(ks[4], (LATENT, SEQ_DIM), dtype=jnp.float32) * 0.02,
        "b_tok": jnp.zeros((LATENT,), dtype=jnp.float32),
        "g_seq": jnp.ones((SEQ_DIM,), dtype=jnp.float32),
        "be_seq": jnp.zeros((SEQ_DIM,), dtype=jnp.float32),
        "g_tok": jnp.ones((SEQ_DIM,), dtype=jnp.float32),
        "be_tok": jnp.zeros((SEQ_DIM,), dtype=jnp.float32),
    }

def reference(aa_types, seq_rep, aa_table, W_seq, b_seq, W_tok, b_tok, g_seq, be_seq, g_tok, be_tok):
    # seq_embed = Linear(LayerNorm(seq_rep.mean(1, keepdim=True)))
    seq_mean = jnp.mean(seq_rep, axis=1, keepdims=True)  # [B, 1, SEQ_DIM]
    seq_embed = jnp.dot(layernorm(seq_mean, g_seq, be_seq), W_seq.T) + b_seq  # [B, 1, LATENT]
    # token_embed = Linear(LayerNorm(seq_rep))
    token_embed = jnp.dot(layernorm(seq_rep, g_tok, be_tok), W_tok.T) + b_tok  # [B, L, LATENT]
    # aa_embed = embedding lookup (gather)
    aa_embed = jnp.take(aa_table, aa_types, axis=0)  # [B, L, LATENT]
    out = seq_embed + token_embed + aa_embed
    return out

if __name__ == "__main__":
    import jax
    _d = setup_inputs()
    print(jax.jit(kernel)(*tuple(_d.values())))

</pallas_src>

<mosaic_0001>
#map = affine_map<(d0, d1) -> (0, 0)>
module attributes {stable_mosaic.version = 14 : i64} {
  func.func @k(%arg0: i32, %arg1: i32, %arg2: memref<100000x64xf32, #tpu.memory_space<hbm>>, %arg3: memref<1024x200xi32, #tpu.memory_space<hbm>>, %arg4: memref<204800x64xf32, #tpu.memory_space<hbm>>, %arg5: memref<32x200xi32, #tpu.memory_space<vmem>>, %arg6: memref<2x128x64xf32, #tpu.memory_space<vmem>>, %arg7: memref<2x72x64xf32, #tpu.memory_space<vmem>>, %arg8: memref<2x!tpu.dma_semaphore, #tpu.memory_space<semaphore_mem>>, %arg9: memref<2x!tpu.dma_semaphore, #tpu.memory_space<semaphore_mem>>) attributes {dimension_semantics = [#tpu.dimension_semantics<core_parallel>, #tpu.dimension_semantics<subcore_parallel>], iteration_bounds = array<i64: 2, 16>, scalar_prefetch = 0 : i64, scratch_operands = 5 : i64, tpu.core_type = #tpu.core_type<sc_vector_subcore>, window_params = [{transform_indices = #map}, {transform_indices = #map}, {transform_indices = #map}]} {
    %mul3A = arith.constant 2 : i32
    %mul3A_0 = arith.muli %arg1, %mul3A : i32
    %add3A = arith.addi %mul3A_0, %arg0 : i32
    %mul3A_1 = arith.constant 32 : i32
    %mul3A_2 = arith.muli %add3A, %mul3A_1 : i32
    %mul3A_3 = arith.constant 200 : i32
    %mul3A_4 = arith.muli %mul3A_2, %mul3A_3 : i32
    "tpu.region"() ({
      %run_scoped3A = tpu.sem_alloc : memref<!tpu.dma_semaphore, #tpu.memory_space<semaphore_mem>>
      %dma_start3A_39 = arith.constant 0 : i32
      %dma_start3A_40 = tpu.memref_slice %arg3[%mul3A_2, %dma_start3A_39] : memref<1024x200xi32, #tpu.memory_space<hbm>> -> memref<32x200xi32, #tpu.memory_space<hbm>>
      %dma_start3A_41 = arith.constant 0 : i32
      %dma_start3A_42 = tpu.memref_slice %arg3[%mul3A_2, %dma_start3A_41] : memref<1024x200xi32, #tpu.memory_space<hbm>> -> memref<32x200xi32, #tpu.memory_space<hbm>>
      tpu.enqueue_dma source(%dma_start3A_42 : memref<32x200xi32, #tpu.memory_space<hbm>>) target(%arg5 : memref<32x200xi32, #tpu.memory_space<vmem>>) target_semaphore(%run_scoped3A : memref<!tpu.dma_semaphore, #tpu.memory_space<semaphore_mem>>)
      %dma_wait3A = arith.constant 0 : i32
      %dma_wait3A_43 = tpu.memref_slice %arg3[%mul3A_2, %dma_wait3A] : memref<1024x200xi32, #tpu.memory_space<hbm>> -> memref<32x200xi32, #tpu.memory_space<hbm>>
      %dma_wait3A_44 = arith.constant 0 : i32
      %dma_wait3A_45 = tpu.memref_slice %arg3[%mul3A_2, %dma_wait3A_44] : memref<1024x200xi32, #tpu.memory_space<hbm>> -> memref<32x200xi32, #tpu.memory_space<hbm>>
      tpu.wait_dma2 semaphore(%run_scoped3A : memref<!tpu.dma_semaphore, #tpu.memory_space<semaphore_mem>>) src(%dma_wait3A_45 : memref<32x200xi32, #tpu.memory_space<hbm>>) dst(%arg5 : memref<32x200xi32, #tpu.memory_space<vmem>>)
      tpu.yield
    }) : () -> ()
    %dma_start3A = arith.constant 0 : i32
    %dma_start3A_5 = arith.constant 0 : i32
    %dma_start3A_6 = arith.constant 0 : i32
    %dma_start3A_7 = arith.constant 0 : i32
    %dma_start3A_8 = arith.constant 0 : i32
    %dma_start3A_9 = tpu.memref_slice %arg6[%dma_start3A_5, %dma_start3A_7, %dma_start3A_8] : memref<2x128x64xf32, #tpu.memory_space<vmem>> -> memref<1x128x64xf32, #tpu.memory_space<vmem>>
    %dma_start3A_10 = tpu.memref_squeeze %dma_start3A_9 : memref<1x128x64xf32, #tpu.memory_space<vmem>> -> memref<128x64xf32, #tpu.memory_space<vmem>>
    %dma_start3A_11 = arith.constant 0 : i32
    %dma_start3A_12 = tpu.memref_slice %arg5[%dma_start3A, %dma_start3A_11] : memref<32x200xi32, #tpu.memory_space<vmem>> -> memref<1x128xi32, #tpu.memory_space<vmem>>
    %dma_start3A_13 = tpu.memref_squeeze %dma_start3A_12 : memref<1x128xi32, #tpu.memory_space<vmem>> -> memref<128xi32, #tpu.memory_space<vmem>>
    %dma_start3A_14 = arith.constant 0 : i32
    %dma_start3A_15 = arith.constant 0 : i32
    %dma_start3A_16 = tpu.memref_slice %arg2[%dma_start3A_14, %dma_start3A_15] : memref<100000x64xf32, #tpu.memory_space<hbm>> -> memref<100000x64xf32, #tpu.memory_space<hbm>>
    %dma_start3A_17 = tpu.memref_slice %arg8[%dma_start3A_6] : memref<2x!tpu.dma_semaphore, #tpu.memory_space<semaphore_mem>> -> memref<1x!tpu.dma_semaphore, #tpu.memory_space<semaphore_mem>>
    %dma_start3A_18 = tpu.memref_squeeze %dma_start3A_17 : memref<1x!tpu.dma_semaphore, #tpu.memory_space<semaphore_mem>> -> memref<!tpu.dma_semaphore, #tpu.memory_space<semaphore_mem>>
    tpu.enqueue_indirect_dma source(%dma_start3A_16 : memref<100000x64xf32, #tpu.memory_space<hbm>>) target(%dma_start3A_10 : memref<128x64xf32, #tpu.memory_space<vmem>>) offsets(%dma_start3A_13 : memref<128xi32, #tpu.memory_space<vmem>>) semaphore(%dma_start3A_18 : memref<!tpu.dma_semaphore, #tpu.memory_space<semaphore_mem>>)
    %dma_start3A_19 = arith.constant 0 : i32
    %dma_start3A_20 = arith.constant 0 : i32
    %dma_start3A_21 = arith.constant 0 : i32
    %dma_start3A_22 = arith.constant 0 : i32
    %dma_start3A_23 = arith.constant 0 : i32
    %dma_start3A_24 = tpu.memref_slice %arg7[%dma_start3A_20, %dma_start3A_22, %dma_start3A_23] : memref<2x72x64xf32, #tpu.memory_space<vmem>> -> memref<1x72x64xf32, #tpu.memory_space<vmem>>
    %dma_start3A_25 = tpu.memref_squeeze %dma_start3A_24 : memref<1x72x64xf32, #tpu.memory_space<vmem>> -> memref<72x64xf32, #tpu.memory_space<vmem>>
    %dma_start3A_26 = arith.constant 128 : i32
    %dma_start3A_27 = tpu.memref_slice %arg5[%dma_start3A_19, %dma_start3A_26] : memref<32x200xi32, #tpu.memory_space<vmem>> -> memref<1x72xi32, #tpu.memory_space<vmem>>
    %dma_start3A_28 = tpu.memref_squeeze %dma_start3A_27 : memref<1x72xi32, #tpu.memory_space<vmem>> -> memref<72xi32, #tpu.memory_space<vmem>>
    %dma_start3A_29 = arith.constant 0 : i32
    %dma_start3A_30 = arith.constant 0 : i32
    %dma_start3A_31 = tpu.memref_slice %arg2[%dma_start3A_29, %dma_start3A_30] : memref<100000x64xf32, #tpu.memory_space<hbm>> -> memref<100000x64xf32, #tpu.memory_space<hbm>>
    %dma_start3A_32 = tpu.memref_slice %arg9[%dma_start3A_21] : memref<2x!tpu.dma_semaphore, #tpu.memory_space<semaphore_mem>> -> memref<1x!tpu.dma_semaphore, #tpu.memory_space<semaphore_mem>>
    %dma_start3A_33 = tpu.memref_squeeze %dma_start3A_32 : memref<1x!tpu.dma_semaphore, #tpu.memory_space<semaphore_mem>> -> memref<!tpu.dma_semaphore, #tpu.memory_space<semaphore_mem>>
    tpu.enqueue_indirect_dma source(%dma_start3A_31 : memref<100000x64xf32, #tpu.memory_space<hbm>>) target(%dma_start3A_25 : memref<72x64xf32, #tpu.memory_space<vmem>>) offsets(%dma_start3A_28 : memref<72xi32, #tpu.memory_space<vmem>>) semaphore(%dma_start3A_33 : memref<!tpu.dma_semaphore, #tpu.memory_space<semaphore_mem>>)
    %scan3A = arith.constant 0 : i32
    %scan3A_34 = arith.constant 0 : i32
    %scan3A_35 = arith.constant 32 : i32
    %scan3A_36 = arith.addi %scan3A_34, %scan3A_35 : i32
    %scan3A_37 = arith.constant 1 : i32
    scf.for %scan3A_39 = %scan3A_34 to %scan3A_36 step %scan3A_37  : i32 {
      %rem3A = arith.constant 2 : i32
      %rem3A_40 = arith.remsi %scan3A_39, %rem3A : i32
      %add3A_41 = arith.constant 1 : i32
      %add3A_42 = arith.addi %scan3A_39, %add3A_41 : i32
      %lt3A = arith.constant 32 : i32
      %lt3A_43 = arith.cmpi slt, %add3A_42, %lt3A : i32
      %convert_element_type3A = arith.extui %lt3A_43 : i1 to i32
      %cond3A = arith.constant 0 : i32
      %cond3A_44 = arith.cmpi ne, %convert_element_type3A, %cond3A : i32
      scf.if %cond3A_44 {
        %add3A_76 = arith.constant 1 : i32
        %add3A_77 = arith.addi %scan3A_39, %add3A_76 : i32
        %add3A_78 = arith.constant 1 : i32
        %add3A_79 = arith.addi %scan3A_39, %add3A_78 : i32
        %rem3A_80 = arith.constant 2 : i32
        %rem3A_81 = arith.remsi %add3A_79, %rem3A_80 : i32
        %dma_start3A_82 = arith.constant 0 : i32
        %dma_start3A_83 = arith.constant 0 : i32
        %dma_start3A_84 = tpu.memref_slice %arg6[%rem3A_81, %dma_start3A_82, %dma_start3A_83] : memref<2x128x64xf32, #tpu.memory_space<vmem>> -> memref<1x128x64xf32, #tpu.memory_space<vmem>>
        %dma_start3A_85 = tpu.memref_squeeze %dma_start3A_84 : memref<1x128x64xf32, #tpu.memory_space<vmem>> -> memref<128x64xf32, #tpu.memory_space<vmem>>
        %dma_start3A_86 = arith.constant 0 : i32
        %dma_start3A_87 = tpu.memref_slice %arg5[%add3A_77, %dma_start3A_86] : memref<32x200xi32, #tpu.memory_space<vmem>> -> memref<1x128xi32, #tpu.memory_space<vmem>>
        %dma_start3A_88 = tpu.memref_squeeze %dma_start3A_87 : memref<1x128xi32, #tpu.memory_space<vmem>> -> memref<128xi32, #tpu.memory_space<vmem>>
        %dma_start3A_89 = arith.constant 0 : i32
        %dma_start3A_90 = arith.constant 0 : i32
        %dma_start3A_91 = tpu.memref_slice %arg2[%dma_start3A_89, %dma_start3A_90] : memref<100000x64xf32, #tpu.memory_space<hbm>> -> memref<100000x64xf32, #tpu.memory_space<hbm>>
        %dma_start3A_92 = tpu.memref_slice %arg8[%rem3A_81] : memref<2x!tpu.dma_semaphore, #tpu.memory_space<semaphore_mem>> -> memref<1x!tpu.dma_semaphore, #tpu.memory_space<semaphore_mem>>
        %dma_start3A_93 = tpu.memref_squeeze %dma_start3A_92 : memref<1x!tpu.dma_semaphore, #tpu.memory_space<semaphore_mem>> -> memref<!tpu.dma_semaphore, #tpu.memory_space<semaphore_mem>>
        tpu.enqueue_indirect_dma source(%dma_start3A_91 : memref<100000x64xf32, #tpu.memory_space<hbm>>) target(%dma_start3A_85 : memref<128x64xf32, #tpu.memory_space<vmem>>) offsets(%dma_start3A_88 : memref<128xi32, #tpu.memory_space<vmem>>) semaphore(%dma_start3A_93 : memref<!tpu.dma_semaphore, #tpu.memory_space<semaphore_mem>>)
        %dma_start3A_94 = arith.constant 0 : i32
        %dma_start3A_95 = arith.constant 0 : i32
        %dma_start3A_96 = tpu.memref_slice %arg7[%rem3A_81, %dma_start3A_94, %dma_start3A_95] : memref<2x72x64xf32, #tpu.memory_space<vmem>> -> memref<1x72x64xf32, #tpu.memory_space<vmem>>
        %dma_start3A_97 = tpu.memref_squeeze %dma_start3A_96 : memref<1x72x64xf32, #tpu.memory_space<vmem>> -> memref<72x64xf32, #tpu.memory_space<vmem>>
        %dma_start3A_98 = arith.constant 128 : i32
        %dma_start3A_99 = tpu.memref_slice %arg5[%add3A_77, %dma_start3A_98] : memref<32x200xi32, #tpu.memory_space<vmem>> -> memref<1x72xi32, #tpu.memory_space<vmem>>
        %dma_start3A_100 = tpu.memref_squeeze %dma_start3A_99 : memref<1x72xi32, #tpu.memory_space<vmem>> -> memref<72xi32, #tpu.memory_space<vmem>>
        %dma_start3A_101 = arith.constant 0 : i32
        %dma_start3A_102 = arith.constant 0 : i32
        %dma_start3A_103 = tpu.memref_slice %arg2[%dma_start3A_101, %dma_start3A_102] : memref<100000x64xf32, #tpu.memory_space<hbm>> -> memref<100000x64xf32, #tpu.memory_space<hbm>>
        %dma_start3A_104 = tpu.memref_slice %arg9[%rem3A_81] : memref<2x!tpu.dma_semaphore, #tpu.memory_space<semaphore_mem>> -> memref<1x!tpu.dma_semaphore, #tpu.memory_space<semaphore_mem>>
        %dma_start3A_105 = tpu.memref_squeeze %dma_start3A_104 : memref<1x!tpu.dma_semaphore, #tpu.memory_space<semaphore_mem>> -> memref<!tpu.dma_semaphore, #tpu.memory_space<semaphore_mem>>
        tpu.enqueue_indirect_dma source(%dma_start3A_103 : memref<100000x64xf32, #tpu.memory_space<hbm>>) target(%dma_start3A_97 : memref<72x64xf32, #tpu.memory_space<vmem>>) offsets(%dma_start3A_100 : memref<72xi32, #tpu.memory_space<vmem>>) semaphore(%dma_start3A_105 : memref<!tpu.dma_semaphore, #tpu.memory_space<semaphore_mem>>)
      } else {
      }
      %dma_wait3A = arith.constant 0 : i32
      %dma_wait3A_45 = arith.constant 0 : i32
      %dma_wait3A_46 = tpu.memref_slice %arg6[%rem3A_40, %dma_wait3A, %dma_wait3A_45] : memref<2x128x64xf32, #tpu.memory_space<vmem>> -> memref<1x128x64xf32, #tpu.memory_space<vmem>>
      %dma_wait3A_47 = tpu.memref_squeeze %dma_wait3A_46 : memref<1x128x64xf32, #tpu.memory_space<vmem>> -> memref<128x64xf32, #tpu.memory_space<vmem>>
      %dma_wait3A_48 = arith.constant 0 : i32
      %dma_wait3A_49 = tpu.memref_slice %arg5[%scan3A_39, %dma_wait3A_48] : memref<32x200xi32, #tpu.memory_space<vmem>> -> memref<1x128xi32, #tpu.memory_space<vmem>>
      %dma_wait3A_50 = tpu.memref_squeeze %dma_wait3A_49 : memref<1x128xi32, #tpu.memory_space<vmem>> -> memref<128xi32, #tpu.memory_space<vmem>>
      %dma_wait3A_51 = arith.constant 0 : i32
      %dma_wait3A_52 = arith.constant 0 : i32
      %dma_wait3A_53 = tpu.memref_slice %arg2[%dma_wait3A_51, %dma_wait3A_52] : memref<100000x64xf32, #tpu.memory_space<hbm>> -> memref<100000x64xf32, #tpu.memory_space<hbm>>
      %dma_wait3A_54 = tpu.memref_slice %arg8[%rem3A_40] : memref<2x!tpu.dma_semaphore, #tpu.memory_space<semaphore_mem>> -> memref<1x!tpu.dma_semaphore, #tpu.memory_space<semaphore_mem>>
      %dma_wait3A_55 = tpu.memref_squeeze %dma_wait3A_54 : memref<1x!tpu.dma_semaphore, #tpu.memory_space<semaphore_mem>> -> memref<!tpu.dma_semaphore, #tpu.memory_space<semaphore_mem>>
      tpu.wait_indirect_dma semaphore(%dma_wait3A_55 : memref<!tpu.dma_semaphore, #tpu.memory_space<semaphore_mem>>) src(%dma_wait3A_53 : memref<100000x64xf32, #tpu.memory_space<hbm>>) dst(%dma_wait3A_47 : memref<128x64xf32, #tpu.memory_space<vmem>>)
      %dma_wait3A_56 = arith.constant 0 : i32
      %dma_wait3A_57 = arith.constant 0 : i32
      %dma_wait3A_58 = tpu.memref_slice %arg7[%rem3A_40, %dma_wait3A_56, %dma_wait3A_57] : memref<2x72x64xf32, #tpu.memory_space<vmem>> -> memref<1x72x64xf32, #tpu.memory_space<vmem>>
      %dma_wait3A_59 = tpu.memref_squeeze %dma_wait3A_58 : memref<1x72x64xf32, #tpu.memory_space<vmem>> -> memref<72x64xf32, #tpu.memory_space<vmem>>
      %dma_wait3A_60 = arith.constant 128 : i32
      %dma_wait3A_61 = tpu.memref_slice %arg5[%scan3A_39, %dma_wait3A_60] : memref<32x200xi32, #tpu.memory_space<vmem>> -> memref<1x72xi32, #tpu.memory_space<vmem>>
      %dma_wait3A_62 = tpu.memref_squeeze %dma_wait3A_61 : memref<1x72xi32, #tpu.memory_space<vmem>> -> memref<72xi32, #tpu.memory_space<vmem>>
      %dma_wait3A_63 = arith.constant 0 : i32
      %dma_wait3A_64 = arith.constant 0 : i32
      %dma_wait3A_65 = tpu.memref_slice %arg2[%dma_wait3A_63, %dma_wait3A_64] : memref<100000x64xf32, #tpu.memory_space<hbm>> -> memref<100000x64xf32, #tpu.memory_space<hbm>>
      %dma_wait3A_66 = tpu.memref_slice %arg9[%rem3A_40] : memref<2x!tpu.dma_semaphore, #tpu.memory_space<semaphore_mem>> -> memref<1x!tpu.dma_semaphore, #tpu.memory_space<semaphore_mem>>
      %dma_wait3A_67 = tpu.memref_squeeze %dma_wait3A_66 : memref<1x!tpu.dma_semaphore, #tpu.memory_space<semaphore_mem>> -> memref<!tpu.dma_semaphore, #tpu.memory_space<semaphore_mem>>
      tpu.wait_indirect_dma semaphore(%dma_wait3A_67 : memref<!tpu.dma_semaphore, #tpu.memory_space<semaphore_mem>>) src(%dma_wait3A_65 : memref<100000x64xf32, #tpu.memory_space<hbm>>) dst(%dma_wait3A_59 : memref<72x64xf32, #tpu.memory_space<vmem>>)
      %mul3A_68 = arith.constant 200 : i32
      %mul3A_69 = arith.muli %scan3A_39, %mul3A_68 : i32
      %add3A_70 = arith.addi %mul3A_4, %mul3A_69 : i32
      "tpu.region"() ({
        %run_scoped3A = tpu.sem_alloc : memref<!tpu.dma_semaphore, #tpu.memory_space<semaphore_mem>>
        %dma_start3A_76 = arith.constant 0 : i32
        %dma_start3A_77 = arith.constant 0 : i32
        %dma_start3A_78 = tpu.memref_slice %arg6[%rem3A_40, %dma_start3A_76, %dma_start3A_77] : memref<2x128x64xf32, #tpu.memory_space<vmem>> -> memref<1x128x64xf32, #tpu.memory_space<vmem>>
        %dma_start3A_79 = tpu.memref_squeeze %dma_start3A_78 : memref<1x128x64xf32, #tpu.memory_space<vmem>> -> memref<128x64xf32, #tpu.memory_space<vmem>>
        %dma_start3A_80 = arith.constant 0 : i32
        %dma_start3A_81 = tpu.memref_slice %arg4[%add3A_70, %dma_start3A_80] : memref<204800x64xf32, #tpu.memory_space<hbm>> -> memref<128x64xf32, #tpu.memory_space<hbm>>
        %dma_start3A_82 = arith.constant 0 : i32
        %dma_start3A_83 = tpu.memref_slice %arg4[%add3A_70, %dma_start3A_82] : memref<204800x64xf32, #tpu.memory_space<hbm>> -> memref<128x64xf32, #tpu.memory_space<hbm>>
        %dma_start3A_84 = arith.constant 0 : i32
        %dma_start3A_85 = arith.constant 0 : i32
        %dma_start3A_86 = tpu.memref_slice %arg6[%rem3A_40, %dma_start3A_84, %dma_start3A_85] : memref<2x128x64xf32, #tpu.memory_space<vmem>> -> memref<1x128x64xf32, #tpu.memory_space<vmem>>
        %dma_start3A_87 = tpu.memref_squeeze %dma_start3A_86 : memref<1x128x64xf32, #tpu.memory_space<vmem>> -> memref<128x64xf32, #tpu.memory_space<vmem>>
        tpu.enqueue_dma source(%dma_start3A_87 : memref<128x64xf32, #tpu.memory_space<vmem>>) target(%dma_start3A_83 : memref<128x64xf32, #tpu.memory_space<hbm>>) target_semaphore(%run_scoped3A : memref<!tpu.dma_semaphore, #tpu.memory_space<semaphore_mem>>)
        %dma_wait3A_88 = arith.constant 0 : i32
        %dma_wait3A_89 = arith.constant 0 : i32
        %dma_wait3A_90 = tpu.memref_slice %arg6[%rem3A_40, %dma_wait3A_88, %dma_wait3A_89] : memref<2x128x64xf32, #tpu.memory_space<vmem>> -> memref<1x128x64xf32, #tpu.memory_space<vmem>>
        %dma_wait3A_91 = tpu.memref_squeeze %dma_wait3A_90 : memref<1x128x64xf32, #tpu.memory_space<vmem>> -> memref<128x64xf32, #tpu.memory_space<vmem>>
        %dma_wait3A_92 = arith.constant 0 : i32
        %dma_wait3A_93 = tpu.memref_slice %arg4[%add3A_70, %dma_wait3A_92] : memref<204800x64xf32, #tpu.memory_space<hbm>> -> memref<128x64xf32, #tpu.memory_space<hbm>>
        %dma_wait3A_94 = arith.constant 0 : i32
        %dma_wait3A_95 = tpu.memref_slice %arg4[%add3A_70, %dma_wait3A_94] : memref<204800x64xf32, #tpu.memory_space<hbm>> -> memref<128x64xf32, #tpu.memory_space<hbm>>
        %dma_wait3A_96 = arith.constant 0 : i32
        %dma_wait3A_97 = arith.constant 0 : i32
        %dma_wait3A_98 = tpu.memref_slice %arg6[%rem3A_40, %dma_wait3A_96, %dma_wait3A_97] : memref<2x128x64xf32, #tpu.memory_space<vmem>> -> memref<1x128x64xf32, #tpu.memory_space<vmem>>
        %dma_wait3A_99 = tpu.memref_squeeze %dma_wait3A_98 : memref<1x128x64xf32, #tpu.memory_space<vmem>> -> memref<128x64xf32, #tpu.memory_space<vmem>>
        tpu.wait_dma2 semaphore(%run_scoped3A : memref<!tpu.dma_semaphore, #tpu.memory_space<semaphore_mem>>) src(%dma_wait3A_99 : memref<128x64xf32, #tpu.memory_space<vmem>>) dst(%dma_wait3A_95 : memref<128x64xf32, #tpu.memory_space<hbm>>)
        tpu.yield
      }) : () -> ()
      %mul3A_71 = arith.constant 200 : i32
      %mul3A_72 = arith.muli %scan3A_39, %mul3A_71 : i32
      %add3A_73 = arith.addi %mul3A_4, %mul3A_72 : i32
      %add3A_74 = arith.constant 128 : i32
      %add3A_75 = arith.addi %add3A_73, %add3A_74 : i32
      "tpu.region"() ({
        %run_scoped3A = tpu.sem_alloc : memref<!tpu.dma_semaphore, #tpu.memory_space<semaphore_mem>>
        %dma_start3A_76 = arith.constant 0 : i32
        %dma_start3A_77 = arith.constant 0 : i32
        %dma_start3A_78 = tpu.memref_slice %arg7[%rem3A_40, %dma_start3A_76, %dma_start3A_77] : memref<2x72x64xf32, #tpu.memory_space<vmem>> -> memref<1x72x64xf32, #tpu.memory_space<vmem>>
        %dma_start3A_79 = tpu.memref_squeeze %dma_start3A_78 : memref<1x72x64xf32, #tpu.memory_space<vmem>> -> memref<72x64xf32, #tpu.memory_space<vmem>>
        %dma_start3A_80 = arith.constant 0 : i32
        %dma_start3A_81 = tpu.memref_slice %arg4[%add3A_75, %dma_start3A_80] : memref<204800x64xf32, #tpu.memory_space<hbm>> -> memref<72x64xf32, #tpu.memory_space<hbm>>
        %dma_start3A_82 = arith.constant 0 : i32
        %dma_start3A_83 = tpu.memref_slice %arg4[%add3A_75, %dma_start3A_82] : memref<204800x64xf32, #tpu.memory_space<hbm>> -> memref<72x64xf32, #tpu.memory_space<hbm>>
        %dma_start3A_84 = arith.constant 0 : i32
        %dma_start3A_85 = arith.constant 0 : i32
        %dma_start3A_86 = tpu.memref_slice %arg7[%rem3A_40, %dma_start3A_84, %dma_start3A_85] : memref<2x72x64xf32, #tpu.memory_space<vmem>> -> memref<1x72x64xf32, #tpu.memory_space<vmem>>
        %dma_start3A_87 = tpu.memref_squeeze %dma_start3A_86 : memref<1x72x64xf32, #tpu.memory_space<vmem>> -> memref<72x64xf32, #tpu.memory_space<vmem>>
        tpu.enqueue_dma source(%dma_start3A_87 : memref<72x64xf32, #tpu.memory_space<vmem>>) target(%dma_start3A_83 : memref<72x64xf32, #tpu.memory_space<hbm>>) target_semaphore(%run_scoped3A : memref<!tpu.dma_semaphore, #tpu.memory_space<semaphore_mem>>)
        %dma_wait3A_88 = arith.constant 0 : i32
        %dma_wait3A_89 = arith.constant 0 : i32
        %dma_wait3A_90 = tpu.memref_slice %arg7[%rem3A_40, %dma_wait3A_88, %dma_wait3A_89] : memref<2x72x64xf32, #tpu.memory_space<vmem>> -> memref<1x72x64xf32, #tpu.memory_space<vmem>>
        %dma_wait3A_91 = tpu.memref_squeeze %dma_wait3A_90 : memref<1x72x64xf32, #tpu.memory_space<vmem>> -> memref<72x64xf32, #tpu.memory_space<vmem>>
        %dma_wait3A_92 = arith.constant 0 : i32
        %dma_wait3A_93 = tpu.memref_slice %arg4[%add3A_75, %dma_wait3A_92] : memref<204800x64xf32, #tpu.memory_space<hbm>> -> memref<72x64xf32, #tpu.memory_space<hbm>>
        %dma_wait3A_94 = arith.constant 0 : i32
        %dma_wait3A_95 = tpu.memref_slice %arg4[%add3A_75, %dma_wait3A_94] : memref<204800x64xf32, #tpu.memory_space<hbm>> -> memref<72x64xf32, #tpu.memory_space<hbm>>
        %dma_wait3A_96 = arith.constant 0 : i32
        %dma_wait3A_97 = arith.constant 0 : i32
        %dma_wait3A_98 = tpu.memref_slice %arg7[%rem3A_40, %dma_wait3A_96, %dma_wait3A_97] : memref<2x72x64xf32, #tpu.memory_space<vmem>> -> memref<1x72x64xf32, #tpu.memory_space<vmem>>
        %dma_wait3A_99 = tpu.memref_squeeze %dma_wait3A_98 : memref<1x72x64xf32, #tpu.memory_space<vmem>> -> memref<72x64xf32, #tpu.memory_space<vmem>>
        tpu.wait_dma2 semaphore(%run_scoped3A : memref<!tpu.dma_semaphore, #tpu.memory_space<semaphore_mem>>) src(%dma_wait3A_99 : memref<72x64xf32, #tpu.memory_space<vmem>>) dst(%dma_wait3A_95 : memref<72x64xf32, #tpu.memory_space<hbm>>)
        tpu.yield
      }) : () -> ()
    }
    %scan3A_38 = arith.constant 32 : i32
    return
  }
}

module attributes {stable_mosaic.version = 14 : i64} {
  func.func @body(%arg0: i32, %arg1: memref<32x200x128xf32, #tpu.memory_space<vmem>>, %arg2: memref<3200x128xf32, #tpu.memory_space<vmem>>, %arg3: memref<128x64xf32, #tpu.memory_space<vmem>>, %arg4: memref<1x64xf32, #tpu.memory_space<vmem>>, %arg5: memref<128x64xf32, #tpu.memory_space<vmem>>, %arg6: memref<1x64xf32, #tpu.memory_space<vmem>>, %arg7: memref<32x100x128xf32, #tpu.memory_space<vmem>>) attributes {dimension_semantics = [#tpu.dimension_semantics<arbitrary>], iteration_bounds = array<i64: 32>, scalar_prefetch = 0 : i64, scratch_operands = 0 : i64, tpu.core_type = #tpu.core_type<tc>, window_params = [{transform_indices = @transform_0, window_bounds = array<i64: 32, 200, 128>}, {transform_indices = @transform_1, window_bounds = array<i64: 3200, 128>}, {pipeline_mode = #tpu.pipeline_mode<synchronous>, transform_indices = @transform_2, window_bounds = array<i64: 128, 64>}, {pipeline_mode = #tpu.pipeline_mode<synchronous>, transform_indices = @transform_3, window_bounds = array<i64: 1, 64>}, {pipeline_mode = #tpu.pipeline_mode<synchronous>, transform_indices = @transform_4, window_bounds = array<i64: 128, 64>}, {pipeline_mode = #tpu.pipeline_mode<synchronous>, transform_indices = @transform_5, window_bounds = array<i64: 1, 64>}, {transform_indices = @transform_6, window_bounds = array<i64: 32, 100, 128>}]} {
    %get3A = arith.constant 0 : index
    %get3A_0 = arith.constant 0 : index
    %get3A_1 = arith.constant 0 : index
    %get3A_2 = vector.load %arg1[%get3A, %get3A_0, %get3A_1] : memref<32x200x128xf32, #tpu.memory_space<vmem>>, vector<32x200x128xf32>
    %reduce_sum3A = arith.constant dense<0.000000e+00> : vector<32x200xf32>
    %reduce_sum3A_3 = vector.multi_reduction <add>, %get3A_2, %reduce_sum3A [2] : vector<32x200x128xf32> to vector<32x200xf32>
    %broadcast_in_dim3A = vector.shape_cast %reduce_sum3A_3 : vector<32x200xf32> to vector<32x200x1xf32>
    %div3A = arith.constant 1.280000e+02 : f32
    %div3A_4 = vector.broadcast %div3A : f32 to vector<32x200x1xf32>
    %div3A_5 = arith.divf %broadcast_in_dim3A, %div3A_4 : vector<32x200x1xf32>
    %sub3A = vector.broadcast %div3A_5 : vector<32x200x1xf32> to vector<32x200x128xf32>
    %sub3A_6 = arith.subf %get3A_2, %sub3A : vector<32x200x128xf32>
    %mul3A = arith.mulf %sub3A_6, %sub3A_6 : vector<32x200x128xf32>
    %reduce_sum3A_7 = arith.constant dense<0.000000e+00> : vector<32x200xf32>
    %reduce_sum3A_8 = vector.multi_reduction <add>, %mul3A, %reduce_sum3A_7 [2] : vector<32x200x128xf32> to vector<32x200xf32>
    %broadcast_in_dim3A_9 = vector.shape_cast %reduce_sum3A_8 : vector<32x200xf32> to vector<32x200x1xf32>
    %div3A_10 = arith.constant 1.280000e+02 : f32
    %div3A_11 = vector.broadcast %div3A_10 : f32 to vector<32x200x1xf32>
    %div3A_12 = arith.divf %broadcast_in_dim3A_9, %div3A_11 : vector<32x200x1xf32>
    %add3A = arith.constant 9.99999974E-6 : f32
    %add3A_13 = vector.broadcast %add3A : f32 to vector<32x200x1xf32>
    %add3A_14 = arith.addf %div3A_12, %add3A_13 : vector<32x200x1xf32>
    %rsqrt3A = math.rsqrt %add3A_14 : vector<32x200x1xf32>
    %mul3A_15 = vector.broadcast %rsqrt3A : vector<32x200x1xf32> to vector<32x200x128xf32>
    %mul3A_16 = arith.mulf %sub3A_6, %mul3A_15 : vector<32x200x128xf32>
    %reshape3A = vector.shape_cast %mul3A_16 : vector<32x200x128xf32> to vector<6400x128xf32>
    %get3A_17 = arith.constant 0 : index
    %get3A_18 = arith.constant 0 : index
    %get3A_19 = vector.load %arg5[%get3A_17, %get3A_18] : memref<128x64xf32, #tpu.memory_space<vmem>>, vector<128x64xf32>
    %dot_general3A = arith.constant dense<0.000000e+00> : vector<6400x64xf32>
    %dot_general3A_20 = tpu.matmul %reshape3A, %get3A_19, %dot_general3A {dimension_numbers = #tpu.dot_dimension_numbers<[1], [0], [0], [1], [0, 0, 1, 1], [], []>, transpose_lhs_hint = false} : vector<6400x128xf32>, vector<128x64xf32>, vector<6400x64xf32> -> vector<6400x64xf32>
    %reduce_sum3A_21 = arith.constant dense<0.000000e+00> : vector<32x128xf32>
    %reduce_sum3A_22 = vector.multi_reduction <add>, %get3A_2, %reduce_sum3A_21 [1] : vector<32x200x128xf32> to vector<32x128xf32>
    %div3A_23 = arith.constant 2.000000e+02 : f32
    %div3A_24 = vector.broadcast %div3A_23 : f32 to vector<32x128xf32>
    %div3A_25 = arith.divf %reduce_sum3A_22, %div3A_24 : vector<32x128xf32>
    %reduce_sum3A_26 = arith.constant dense<0.000000e+00> : vector<32xf32>
    %reduce_sum3A_27 = vector.multi_reduction <add>, %div3A_25, %reduce_sum3A_26 [1] : vector<32x128xf32> to vector<32xf32>
    %broadcast_in_dim3A_28 = vector.shape_cast %reduce_sum3A_27 : vector<32xf32> to vector<32x1xf32>
    %div3A_29 = arith.constant 1.280000e+02 : f32
    %div3A_30 = vector.broadcast %div3A_29 : f32 to vector<32x1xf32>
    %div3A_31 = arith.divf %broadcast_in_dim3A_28, %div3A_30 : vector<32x1xf32>
    %sub3A_32 = vector.broadcast %div3A_31 : vector<32x1xf32> to vector<32x128xf32>
    %sub3A_33 = arith.subf %div3A_25, %sub3A_32 : vector<32x128xf32>
    %mul3A_34 = arith.mulf %sub3A_33, %sub3A_33 : vector<32x128xf32>
    %reduce_sum3A_35 = arith.constant dense<0.000000e+00> : vector<32xf32>
    %reduce_sum3A_36 = vector.multi_reduction <add>, %mul3A_34, %reduce_sum3A_35 [1] : vector<32x128xf32> to vector<32xf32>
    %broadcast_in_dim3A_37 = vector.shape_cast %reduce_sum3A_36 : vector<32xf32> to vector<32x1xf32>
    %div3A_38 = arith.constant 1.280000e+02 : f32
    %div3A_39 = vector.broadcast %div3A_38 : f32 to vector<32x1xf32>
    %div3A_40 = arith.divf %broadcast_in_dim3A_37, %div3A_39 : vector<32x1xf32>
    %add3A_41 = arith.constant 9.99999974E-6 : f32
    %add3A_42 = vector.broadcast %add3A_41 : f32 to vector<32x1xf32>
    %add3A_43 = arith.addf %div3A_40, %add3A_42 : vector<32x1xf32>
    %rsqrt3A_44 = math.rsqrt %add3A_43 : vector<32x1xf32>
    %mul3A_45 = vector.broadcast %rsqrt3A_44 : vector<32x1xf32> to vector<32x128xf32>
    %mul3A_46 = arith.mulf %sub3A_33, %mul3A_45 : vector<32x128xf32>
    %get3A_47 = arith.constant 0 : index
    %get3A_48 = arith.constant 0 : index
    %get3A_49 = vector.load %arg3[%get3A_47, %get3A_48] : memref<128x64xf32, #tpu.memory_space<vmem>>, vector<128x64xf32>
    %dot_general3A_50 = arith.constant dense<0.000000e+00> : vector<32x64xf32>
    %dot_general3A_51 = tpu.matmul %mul3A_46, %get3A_49, %dot_general3A_50 {dimension_numbers = #tpu.dot_dimension_numbers<[1], [0], [0], [1], [0, 0, 1, 1], [], []>, transpose_lhs_hint = false} : vector<32x128xf32>, vector<128x64xf32>, vector<32x64xf32> -> vector<32x64xf32>
    %get3A_52 = arith.constant 0 : index
    %get3A_53 = arith.constant 0 : index
    %get3A_54 = vector.load %arg4[%get3A_52, %get3A_53] : memref<1x64xf32, #tpu.memory_space<vmem>>, vector<1x64xf32>
    %add3A_55 = vector.broadcast %get3A_54 : vector<1x64xf32> to vector<32x64xf32>
    %add3A_56 = arith.addf %dot_general3A_51, %add3A_55 : vector<32x64xf32>
    %get3A_57 = arith.constant 0 : index
    %get3A_58 = arith.constant 0 : index
    %get3A_59 = vector.load %arg6[%get3A_57, %get3A_58] : memref<1x64xf32, #tpu.memory_space<vmem>>, vector<1x64xf32>
    %add3A_60 = vector.broadcast %get3A_59 : vector<1x64xf32> to vector<32x64xf32>
    %add3A_61 = arith.addf %add3A_56, %add3A_60 : vector<32x64xf32>
    %reshape3A_62 = vector.shape_cast %add3A_61 : vector<32x64xf32> to vector<32x1x64xf32>
    %reshape3A_63 = vector.shape_cast %dot_general3A_20 : vector<6400x64xf32> to vector<32x200x64xf32>
    %add3A_64 = vector.broadcast %reshape3A_62 : vector<32x1x64xf32> to vector<32x200x64xf32>
    %add3A_65 = arith.addf %reshape3A_63, %add3A_64 : vector<32x200x64xf32>
    %reshape3A_66 = vector.shape_cast %add3A_65 : vector<32x200x64xf32> to vector<32x100x2x64xf32>
    %slice3A = vector.extract_strided_slice %reshape3A_66 {offsets = [0, 0, 0, 0], sizes = [32, 100, 1, 64], strides = [1, 1, 1, 1]} : vector<32x100x2x64xf32> to vector<32x100x1x64xf32>
    %squeeze3A = vector.shape_cast %slice3A : vector<32x100x1x64xf32> to vector<32x100x64xf32>
    %slice3A_67 = vector.extract_strided_slice %reshape3A_66 {offsets = [0, 0, 1, 0], sizes = [32, 100, 1, 64], strides = [1, 1, 1, 1]} : vector<32x100x2x64xf32> to vector<32x100x1x64xf32>
    %squeeze3A_68 = vector.shape_cast %slice3A_67 : vector<32x100x1x64xf32> to vector<32x100x64xf32>
    %concatenate3A = tpu.concatenate %squeeze3A, %squeeze3A_68 in 2 : vector<32x100x64xf32>, vector<32x100x64xf32> -> vector<32x100x128xf32>
    %get3A_69 = arith.constant 0 : index
    %get3A_70 = arith.constant 0 : index
    %get3A_71 = vector.load %arg2[%get3A_69, %get3A_70] : memref<3200x128xf32, #tpu.memory_space<vmem>>, vector<3200x128xf32>
    %reshape3A_72 = vector.shape_cast %get3A_71 : vector<3200x128xf32> to vector<32x100x128xf32>
    %add3A_73 = arith.addf %concatenate3A, %reshape3A_72 : vector<32x100x128xf32>
    %swap3A = arith.constant 0 : index
    %swap3A_74 = arith.constant 0 : index
    %swap3A_75 = arith.constant 0 : index
    %swap3A_76 = vector.load %arg7[%swap3A, %swap3A_74, %swap3A_75] : memref<32x100x128xf32, #tpu.memory_space<vmem>>, vector<32x100x128xf32>
    tpu.vector_store %arg7[%swap3A, %swap3A_74, %swap3A_75], %add3A_73 {strides = array<i32>} : memref<32x100x128xf32, #tpu.memory_space<vmem>>, vector<32x100x128xf32>,
    return
  }
  func.func @transform_0(%arg0: i32) -> (i32, i32, i32) {
    %c0_i32 = arith.constant 0 : i32
    %c0_i32_0 = arith.constant 0 : i32
    %c0_i32_1 = arith.constant 0 : i32
    return %arg0, %c0_i32, %c0_i32_0 : i32, i32, i32
  }
  func.func @transform_1(%arg0: i32) -> (i32, i32) {
    %c0_i32 = arith.constant 0 : i32
    %c0_i32_0 = arith.constant 0 : i32
    return %arg0, %c0_i32 : i32, i32
  }
  func.func @transform_2(%arg0: i32) -> (i32, i32) {
    %c0_i32 = arith.constant 0 : i32
    %c0_i32_0 = arith.constant 0 : i32
    %c0_i32_1 = arith.constant 0 : i32
    return %c0_i32, %c0_i32_0 : i32, i32
  }
  func.func @transform_3(%arg0: i32) -> (i32, i32) {
    %c0_i32 = arith.constant 0 : i32
    %c0_i32_0 = arith.constant 0 : i32
    %c0_i32_1 = arith.constant 0 : i32
    return %c0_i32, %c0_i32_0 : i32, i32
  }
  func.func @transform_4(%arg0: i32) -> (i32, i32) {
    %c0_i32 = arith.constant 0 : i32
    %c0_i32_0 = arith.constant 0 : i32
    %c0_i32_1 = arith.constant 0 : i32
    return %c0_i32, %c0_i32_0 : i32, i32
  }
  func.func @transform_5(%arg0: i32) -> (i32, i32) {
    %c0_i32 = arith.constant 0 : i32
    %c0_i32_0 = arith.constant 0 : i32
    %c0_i32_1 = arith.constant 0 : i32
    return %c0_i32, %c0_i32_0 : i32, i32
  }
  func.func @transform_6(%arg0: i32) -> (i32, i32, i32) {
    %c0_i32 = arith.constant 0 : i32
    %c0_i32_0 = arith.constant 0 : i32
    %c0_i32_1 = arith.constant 0 : i32
    return %arg0, %c0_i32, %c0_i32_0 : i32, i32, i32
  }
}

</mosaic_0001>

<sc_bundles>
// kernel: kernel.4.cloned.1.call-start
scs
__scs_entry_jumppad:
0x0: {  	(pc) =	sbr.rel $0x88, $3  }
0x1: {  	(tag) =	ssettag $0x0;
	lr =	simm.s32 $0x1  }
0x2: {  	[smem:$0x3F96] =	sst lr;
	_ =	strace $0xD0000000  }
0x3: {  	_ = 	snop  }
0x4: {  	_ = 	snop  }
0x5: {  	_ = 	snop  }
0x6: {  	_ = 	snop  }
0x7: {  	_ = 	snop  }
__scs_overlays_trampoline_lowered:
0x8: {  	[smem:$0x3FA5] =	sst s0  }
0x9: {  	[smem:$0x3FA6] =	sst s1  }
0xa: {  	[smem:$0x3FA7] =	sst s2  }
0xb: {  	[smem:$0x3FA8] =	sst s3  }
0xc: {  	[smem:$0x3FA9] =	sst s4  }
0xd: {  	[smem:$0x3FAA] =	sst s5  }
0xe: {  	[smem:$0x3FAB] =	sst s6  }
0xf: {  	[smem:$0x3FAC] =	sst s7  }
0x10: {  	[smem:$0x3FAD] =	sst s8  }
0x11: {  	[smem:$0x3FAE] =	sst s9;
	s0 =	simm.s32 @!p0 $0x0  }
0x12: {  	s1 =	sld [smem:$0x3F94];
	s0 =	simm.s32 @p0 $0x1  }
0x13: {  	[smem:$0x3FAF] =	sst s0;
	s0 =	simm.s32 @!p1 $0x0  }
0x14: {  	s2 =	sld [smem:$0x3F93];
	s0 =	simm.s32 @p1 $0x1  }
0x15: {  	[smem:$0x3FB0] =	sst s0;
	s0 =	simm.s32 @!p2 $0x0  }
0x16: {  	s3 =	sld [smem:$0x3FDB];
	s0 =	simm.s32 @p2 $0x1  }
0x17: {  	s4 =	simm.s32 $0x1BF5;
	[smem:$0x3FB2] =	sst s0  }
0x18: {  	s0 =	sld [smem:$0x3F95];
	_ =	swait.ge [sflag:s4], $0x0  }
0x19: {  	s7 =	sld [smem:$0x3F96]  }
0x1a: {  	s8 =	sadd.s32 $0xFFFFE003, lr  }
0x1b: {  	s9 =	sadd.s32 $0xFFFFFEF7, lr;
	s5 =	simm.s32 $0xFFFFFFFF;
	p2 =	slt.u32 s8, $0xFFFFF086  }
0x1c: {  	p1 =	slt.u32 s9, $0xF7A;
	s5 =	simm.s32 @!p2 $0x0  }
0x1d: {  	s5 =	simm.s32 @p1 $0x1;
	p0 =	seq.s32 s7, s2  }
0x1e: {  	s7 =	smul.u32 @!p0 $0xF7A, s2;
	p2 =	seq.s32 @!p0 s5, $0x0  }
0x1f: {  	s9 =	smul.u32 $0xF7A, s1;
	s8 =	simm.s32 @!p0 $0x1BF5;
	p2 =	por !p2, p0  }
0x20: {  	[sflag:s8] =	ssyncset.s32 @!p0 $0xFFFFF086;
	s6 =	sadd.s32 @!p0 s3, s7;
	s7 =	simm.s32 @!p0 $0x108  }
0x21: {  	s3 =	sadd.s32 s3, s9;
	s6 =	sadd.s32 @!p0 $0x88, s6;
	s7 =	simm.s32 @p2 $0x1082  }
0x22: {  	[simem:s7], [sflag:s8] =	dma.local @!p0 [hbm:s6], $0xF7A  }
0x23: {  	s9 =	sor.u32 $0xD0000000, s2;
	s6 =	simm.s32 $0x108;
	_ =	swait.ge @!p0 [sflag:s8], $0x0  }
0x24: {  	s3 =	sadd.s32 $0x88, s3;
	s6 =	simm.s32 @!p1 $0x1082;
	[sflag:s4] =	ssyncset.s32 $0xFFFFF086  }
0x25: {  	[simem:s6], [sflag:s4] =	dma.local [hbm:s3], $0xF7A  }
0x26: {  	[smem:$0x3F96] =	sst s1;
	(tag) =	ssettag s2;
	_ =	strace s9  }
0x27: {  	s1 =	sld [smem:$0x3FA6]  }
0x28: {  	s2 =	sld [smem:$0x3FA7]  }
0x29: {  	s4 =	sld [smem:$0x3FA9]  }
0x2a: {  	p0 =	seq.s32 s5, $0x0;
	s5 =	sld [smem:$0x3FAA]  }
0x2b: {  	s6 =	sld [smem:$0x3FAB]  }
0x2c: {  	s7 =	sld [smem:$0x3FAC]  }
0x2d: {  	s3 =	simm.s32 $0x108;
	s8 =	sld [smem:$0x3FAD]  }
0x2e: {  	s3 =	simm.s32 @!p0 $0x1082;
	s9 =	sld [smem:$0x3FAE]  }
0x2f: {  	lr =	sadd.s32 s0, s3;
	s0 =	sld [smem:$0x3FA5]  }
0x30: {  	s3 =	sld [smem:$0x3FA8]  }
0x31: {  	[smem:$0x3FB1] =	sst s10  }
0x32: {  	s10 =	sld [smem:$0x3FAF];
	_ =	sdelay $0x3  }
0x33: {  	p0 =	seq.s32 s10, $0x1;
	s10 =	sld [smem:$0x3FB1];
	_ =	sdelay $0x3  }
0x34: {  	[smem:$0x3FB1] =	sst s10  }
0x35: {  	s10 =	sld [smem:$0x3FB0];
	_ =	sdelay $0x3  }
0x36: {  	p1 =	seq.s32 s10, $0x1;
	s10 =	sld [smem:$0x3FB1];
	_ =	sdelay $0x3  }
0x37: {  	[smem:$0x3FB1] =	sst s10  }
0x38: {  	s10 =	sld [smem:$0x3FB2]  }
0x39: {  	_ = 	snop;
	(pc) =	sbr.ind lr, $3  }
0x3a: {  	_ = 	snop  }
0x3b: {  	_ = 	snop  }
0x3c: {  	p2 =	seq.s32 s10, $0x1;
	s10 =	sld [smem:$0x3FB1]  }
0x3d: {  	_ =	shalt  }
0x3e: {  	_ =	shalt  }
0x3f: {  	_ =	shalt  }
0x40: {  	_ =	shalt  }
0x41: {  	_ =	shalt  }
0x42: {  	_ =	shalt  }
0x43: {  	_ =	shalt  }
0x44: {  	_ =	shalt  }
0x45: {  	_ =	shalt  }
0x46: {  	_ =	shalt  }
0x47: {  	_ =	shalt  }
0x48: {  	_ =	shalt  }
0x49: {  	_ =	shalt  }
0x4a: {  	_ =	shalt  }
0x4b: {  	_ =	shalt  }
0x4c: {  	_ =	shalt  }
0x4d: {  	_ =	shalt  }
0x4e: {  	_ =	shalt  }
0x4f: {  	_ =	shalt  }
0x50: {  	_ =	shalt  }
0x51: {  	_ =	shalt  }
0x52: {  	_ =	shalt  }
0x53: {  	_ =	shalt  }
0x54: {  	_ =	shalt  }
0x55: {  	_ =	shalt  }
0x56: {  	_ =	shalt  }
0x57: {  	_ =	shalt  }
0x58: {  	_ =	shalt  }
0x59: {  	_ =	shalt  }
0x5a: {  	_ =	shalt  }
0x5b: {  	_ =	shalt  }
0x5c: {  	_ =	shalt  }
0x5d: {  	_ =	shalt  }
0x5e: {  	_ =	shalt  }
0x5f: {  	_ =	shalt  }
0x60: {  	_ =	shalt  }
0x61: {  	_ =	shalt  }
0x62: {  	_ =	shalt  }
0x63: {  	_ =	shalt  }
0x64: {  	_ =	shalt  }
0x65: {  	_ =	shalt  }
0x66: {  	_ =	shalt  }
0x67: {  	_ =	shalt  }
0x68: {  	_ =	shalt  }
0x69: {  	_ =	shalt  }
0x6a: {  	_ =	shalt  }
0x6b: {  	_ =	shalt  }
0x6c: {  	_ =	shalt  }
0x6d: {  	_ =	shalt  }
0x6e: {  	_ =	shalt  }
0x6f: {  	_ =	shalt  }
0x70: {  	_ =	shalt  }
0x71: {  	_ =	shalt  }
0x72: {  	_ =	shalt  }
0x73: {  	_ =	shalt  }
0x74: {  	_ =	shalt  }
0x75: {  	_ =	shalt  }
0x76: {  	_ =	shalt  }
0x77: {  	_ =	shalt  }
0x78: {  	_ =	shalt  }
0x79: {  	_ =	shalt  }
0x7a: {  	_ =	shalt  }
0x7b: {  	_ =	shalt  }
0x7c: {  	_ =	shalt  }
0x7d: {  	_ =	shalt  }
0x7e: {  	_ =	shalt  }
0x7f: {  	_ =	shalt  }
0x80: {  	_ =	shalt  }
0x81: {  	_ =	shalt  }
0x82: {  	_ =	shalt  }
0x83: {  	_ =	shalt  }
0x84: {  	_ =	shalt  }
0x85: {  	_ =	shalt  }
0x86: {  	_ =	shalt  }
0x87: {  	_ =	shalt  }
.Lfunc_end0:
.L_simem_size_0:
called_computation_lowered:
.L_overlay_start_0:
0x88: {  	s2 =	sld [smem:$0x3FD9]  }
0x89: {  	s3 =	sld [smem:$0x3FFE];
	_ =	sdelay $0x1  }
0x8a: {  	s1 =	srdreg.scid  }
0x8b: {  	s0 =	sand.u32 $0x1, s1  }
0x8c: {  	s17 =	sshll.u32 s0, $0xA;
	s2 =	sadd.s32 s3, s2  }
0x8d: {  	s2 =	sadd.s32 s2, s17  }
0x8e: {  	[smem:$0x3FBD] =	sst s2  }
0x8f: {  	_ = 	snop  }
0x90: {  	s2 =	sld [smem:$0x3FD0];
	(tm) =	ssettm $0x1  }
0x91: {  	s18 =	sld [smem:$0x3FFB];
	_ =	sdelay $0x3  }
0x92: {  	_ =	strace s18  }
0x93: {  	s3 =	sld [smem:$0x3FFC];
	_ =	sdelay $0x3  }
0x94: {  	_ =	strace s3  }
0x95: {  	s3 =	sld [smem:$0x3FFD];
	_ =	sdelay $0x3  }
0x96: {  	_ =	strace s3  }
0x97: {  	_ =	strace $0x8FFFFFFF  }
0x98: {  	s19 =	sld [smem:$0x3FDB];
	_ =	sdelay $0x1  }
0x99: {  	s4 =	simm.s32 $_scs_section_size  }
0x9a: {  	s5 =	simm.s32 $_size__tile_overlayer_lowered;
	s6 =	simm.s32 $_tile_overlayer_lowered  }
0x9b: {  	s22 =	simm.s32 $0x1BFF;
	s21 =	sshll.u32 s6, $0x1;
	s3 =	sadd.s32 s4, s19  }
0x9c: {  	s7 =	simm.s32 $0x0;
	s20 =	sshll.u32 s5, $0x1;
	s5 =	sadd.s32 s21, s3  }
0x9d: {  	[timem:s7], [sflag:s22] =	dma.local [hbm:s5], s20  }
0x9e: {  	_ =	swait.ge [sflag:s22], s20  }
0x9f: {  	s4 =	ssub.s32 $0x0, s20;
	[sflag:s22] =	ssyncset.done $0x0  }
0xa0: {  	[sflag:s22] =	ssyncadd.s32 s4;
	_ =	sdelay $0x1  }
0xa1: {  	s23 =	simm.s32 $0x1B8B  }
0xa2: {  	_ =	swait.ge [sflag:s23], $0x1  }
0xa3: {  	[sflag:s23] =	ssyncset.done $0x0  }
0xa4: {  	s25 =	simm.s32 $0x1B8E;
	s24 =	sld [smem:$0x3FFE];
	[sflag:s23] =	ssyncadd.s32 $0xFFFFFFFF  }
0xa5: {  	s26 =	simm.s32 $execute0_lowered;
	[smem:$0x3FD2] =	sst s25  }
0xa6: {  	s5 =	sshll.u32 s26, $0x1;
	_ =	strace $0x80000046;
	[dreg:$0x1] =	wrdreg $0xFFFFFFFF  }
0xa7: {  	s28 =	simm.s32 $_size_execute0_lowered;
	s3 =	sadd.s32 s3, s5;
	[dreg:$0x0] =	wrdreg $0x0  }
0xa8: {  	s5 =	sshll.u32 s28, $0x1;
	[dreg:$0x2] =	wrdreg s3  }
0xa9: {  	[dreg:$0x3] =	wrdreg s5  }
0xaa: {  	[dreg:$0x4] =	wrdreg $0xC0  }
0xab: {  	_ =	task [dreg:s7], $0x5FFFF  }
0xac: {  	[dreg:$0x1] =	wrdreg $0xFFFFFFFF  }
0xad: {  	[dreg:$0x0] =	wrdreg $0x60  }
0xae: {  	[dreg:$0x2] =	wrdreg s24  }
0xaf: {  	[dreg:$0x3] =	wrdreg s2  }
0xb0: {  	[dreg:$0x4] =	wrdreg $0x9  }
0xb1: {  	_ =	task.clear_ibuf [dreg:s7], $0x5FFFF;
	_ =	strace $0x90000046  }
0xb2: {  	s29 =	simm.s32 $0x9;
	_ =	strace $0x80000048  }
0xb3: {  	_ =	swait.ge [sflag:s29], $0x1  }
0xb4: {  	[sflag:s29] =	ssyncadd.s32 $0xFFFFFFFF  }
0xb5: {  	_ =	strace $0x90000048  }
0xb6: {  	_ =	sfence  }
0xb7: {  	s30 =	sld [smem:$0x0];
	_ =	sdelay $0x2  }
0xb8: {  	s31 =	sshll.u32 s1, $0xD;
	s1 =	sshrl.u32 s1, $0x2  }
0xb9: {  	s3 =	sand.u32 $0x4000, s31;
	s1 =	sadd.s32 s1, s30  }
0xba: {  	s0 =	sor.u32 s3, s0;
	s1 =	sshll.u32 s1, $0x11  }
0xbb: {  	s0 =	sor.u32 s1, s0  }
0xbc: {  	s0 =	sadd.s32 $0x8F2B, s0  }
0xbd: {  	[sflag:s0] =	ssyncadd.remote.s32 $0x1  }
0xbe: {  	_ =	sfence.sel $0xFFFF  }
0xbf: {  	[dreg:$0x0] =	wrdreg $0xFFFFFFFF;
	(pc) =	sbr.abs _section_cstart, $3  }
0xc0: {  	[dreg:$0x1] =	wrdreg $0xFFFFFFFF  }
0xc1: {  	_ =	task.clear_ibuf [dreg:s7], $0x2FFFF;
	_ =	strace $0x9FFFFFFF  }
0xc2: {  	(tm) =	ssettm $0x7FFFFFFF  }
0xc3: {  	_ =	shalt  }
tec
execute0_lowered:
.L_overlay_start_1:
0x0: {  	(tag) =	ssettag $0x1  }
0x1: {  	s4 =	rddreg [dreg:$0x0]  }
0x2: {  	s7 =	rddreg [dreg:$0x1]  }
0x3: {  	s0 =	rddreg [dreg:$0x2];
	s3 =	srdreg.scid  }
0x4: {  	s1 =	stileid.u32;
	s2 =	simm.s32 $0x0;
	s12 =	simm.s32 $0x48  }
0x5: {  	s13 =	simm.s32 $0x5900;
	s14 =	simm.s32 $0x2;
	s15 =	simm.s32 $0x4  }
0x6: {  	s16 =	simm.s32 $0x3900;
	s17 =	simm.s32 $0x6B00;
	s18 =	simm.s32 $0x0  }
0x7: {  	s5 =	sand.u32 $0x1, s3;
	s26 =	sshll.u32 s1, $0x1;
	s29 =	smul.u32 $0x19000, s1  }
0x8: {  	[smem:$0x7FF] =	sst s2;
	s6 =	sor.u32 s5, s26;
	s11 =	smul.u32 $0xC800, s5  }
0x9: {  	s3 =	sadd.s32 $0x7A00, s4;
	s9 =	ssub.s32 $0x2, s5;
	s8 =	smul.u32 $0x320, s6  }
0xa: {  	_ =	strace $0x80000047;
	s10 =	sshrl.u32 s9, $0x1;
	s6 =	smul.u32 $0xC800, s6  }
0xb: {  	s31 =	sadd.s32 s29, s7;
	s28 =	ssub.s32 s9, s10;
	s9 =	simm.s32 $0x5  }
0xc: {  	s10 =	simm.s32 $0x80;
	s4 =	sadd.s32 s8, s4;
	s30 =	sadd.s32 s7, s6  }
0xd: {  	s5 =	smax.u32 s28, $0x1;
	s8 =	sadd.s32 s11, s31;
	s11 =	simm.s32 $0x1900  }
0xe: {  	s4 =	sadd.s32 $0x1600, s4;
	s6 =	sadd.s32 $0xC1C0, s30;
	s7 =	sadd.s32 $0xC5C0, s30  }
.LBB2_1:
0xf: {  	[tilespmem:s2], [sflag:$0x5] =	stream.linear.gather [hbm4b:s4+s2], $0x1900, $0x38;
	[tilespmem:$0x7D00] =	vst v63  }
0x10: {  	_ =	swait.ge [sflag:s9], $0x1900  }
0x11: {  	s19 =	simm.s32 $0x1;
	[sflag:s9] =	ssyncset.done $0x0  }
0x12: {  	s19 =	sand.u32 $0x1, s19;
	[sflag:s9] =	ssyncadd.s32 $0xFFFFE700  }
0x13: {  	[tilespmem:s11], [sflag:$0x1] =	stream.indirect.gather [hbm4b:s3+s10], $0x40, s2, s10, $0xb8;
	[tilespmem:$0x7D00] =	vst v63  }
0x14: {  	s20 =	simm.s32 $0xC8;
	s21 =	simm.s32 $0x0;
	s22 =	sshll.u32 s19, $0xD  }
0x15: {  	[tilespmem:s13], [sflag:$0x3] =	stream.indirect.gather [hbm4b:s3+s12], $0x40, s10, s12, $0xb8;
	[tilespmem:$0x7D00] =	vst v63  }
0x16: {  	s23 =	smul.u32 $0x4800, s19;
	s24 =	sadd.s32 $0x1, s19;
	s22 =	sor.u32 $0x1900, s22  }
0x17: {  	[tilespmem:s22], [sflag:s24] =	stream.indirect.gather [hbm4b:s3+s10], $0x40, s20, s10, $0xb8;
	[tilespmem:$0x7D00] =	vst v63  }
0x18: {  	s31 =	simm.s32 $0x148;
	s21 =	sand.u32 $0x1, s21;
	s24 =	sshrl.u32 s23, $0x2  }
0x19: {  	s19 =	sadd.s32 $0x3, s19;
	s25 =	sadd.s32 $0x1, s21;
	s22 =	sadd.s32 $0x5900, s24  }
0x1a: {  	[tilespmem:s22], [sflag:s19] =	stream.indirect.gather [hbm4b:s3+s12], $0x40, s31, s12, $0xb8;
	[tilespmem:$0x7D00] =	vst v63  }
0x1b: {  	_ =	swait.ge [sflag:s25], $0x2000  }
0x1c: {  	[sflag:s25] =	ssyncset.done $0x0  }
0x1d: {  	s26 =	sadd.s32 $0x3, s21;
	[sflag:s25] =	ssyncadd.s32 $0xFFFFE000  }
0x1e: {  	s28 =	sshll.u32 s21, $0xD;
	s21 =	smul.u32 $0x4800, s21;
	_ =	swait.ge [sflag:s26], $0x1200  }
0x1f: {  	s29 =	simm.s32 $0x2;
	[sflag:s26] =	ssyncset.done $0x0  }
0x20: {  	s30 =	sshrl.u32 s21, $0x2;
	s20 =	sor.u32 $0x1900, s28;
	[sflag:s26] =	ssyncadd.s32 $0xFFFFEE00  }
0x21: {  	[hbm4b:s8+s2] =	stream.linear.scatter [tilespmem:s20], [sflag:$0x5], $0x2000, $0x38;
	[tilespmem:$0x7D00] =	vst v63  }
0x22: {  	s21 =	simm.s32 $0x210;
	s23 =	sand.u32 $0x1, s29;
	_ =	swait.ge [sflag:s9], $0x2000  }
0x23: {  	s24 =	simm.s32 $0x1;
	s22 =	simm.s32 $0x3;
	[sflag:s9] =	ssyncset.done $0x0  }
0x24: {  	s19 =	sadd.s32 $0x5900, s30;
	s31 =	sadd.s32 $0x400, s8;
	[sflag:s9] =	ssyncadd.s32 $0xFFFFE000  }
0x25: {  	[hbm4b:s31+s2] =	stream.linear.scatter [tilespmem:s19], [sflag:$0x5], $0x1200, $0x38;
	[tilespmem:$0x7D00] =	vst v63  }
0x26: {  	s20 =	simm.s32 $0x190;
	s19 =	sadd.s32 $0x640, s8;
	_ =	swait.ge [sflag:s9], $0x1200  }
.LBB2_2:
0x27: {  	s25 =	sshll.u32 s23, $0xD  }
0x28: {  	s26 =	smul.u32 $0x4800, s23;
	[sflag:s9] =	ssyncset.done $0x0;
	s28 =	smov.u32 s22  }
0x29: {  	s29 =	sadd.s32 $0x1, s23;
	s25 =	sor.u32 $0x1900, s25;
	[sflag:s9] =	ssyncadd.s32 $0xFFFFEE00  }
0x2a: {  	[tilespmem:s25], [sflag:s29] =	stream.indirect.gather [hbm4b:s3+s10], $0x40, s20, s10, $0xb8;
	[tilespmem:$0x7D00] =	vst v63  }
0x2b: {  	s24 =	sand.u32 $0x1, s24;
	s23 =	sadd.s32 $0x3, s23;
	s25 =	sshrl.u32 s26, $0x2  }
0x2c: {  	s26 =	sadd.s32 $0x1, s24;
	s29 =	sshll.u32 s24, $0xD;
	s25 =	sadd.s32 $0x5900, s25  }
0x2d: {  	[tilespmem:s25], [sflag:s23] =	stream.indirect.gather [hbm4b:s3+s12], $0x40, s21, s12, $0xb8;
	[tilespmem:$0x7D00] =	vst v63  }
0x2e: {  	s25 =	sadd.s32 $0x1, s22;
	s21 =	smul.u32 $0x4800, s24;
	_ =	swait.ge [sflag:s26], $0x2000  }
0x2f: {  	p0 =	sne.s32 s22, $0x1F;
	s22 =	sadd.s32 $0x3, s24;
	[sflag:s26] =	ssyncset.done $0x0  }
0x30: {  	s21 =	sshrl.u32 s21, $0x2;
	[sflag:s26] =	ssyncadd.s32 $0xFFFFE000  }
0x31: {  	_ =	swait.ge [sflag:s22], $0x1200  }
0x32: {  	s23 =	sor.u32 $0x1900, s29;
	[sflag:s22] =	ssyncset.done $0x0  }
0x33: {  	s20 =	sadd.s32 $0xC8, s20;
	[sflag:s22] =	ssyncadd.s32 $0xFFFFEE00  }
0x34: {  	[hbm4b:s19+s2] =	stream.linear.scatter [tilespmem:s23], [sflag:$0x5], $0x2000, $0x38;
	[tilespmem:$0x7D00] =	vst v63  }
.Ltmp0:
0x35: {  	s24 =	sadd.s32 $0xFFFFFFFF, s28;
	_ =	swait.ge [sflag:s9], $0x2000;
	(pc) =	sbr.rel @p0 .LBB2_2-.Ltmp0, $4  }
0x36: {  	s22 =	sadd.s32 $0x5900, s21;
	s23 =	sadd.s32 $0x400, s19;
	[sflag:s9] =	ssyncset.done $0x0  }
0x37: {  	s21 =	sadd.s32 $0x80, s20;
	s19 =	sadd.s32 $0x640, s19;
	[sflag:s9] =	ssyncadd.s32 $0xFFFFE000  }
0x38: {  	[hbm4b:s23+s2] =	stream.linear.scatter [tilespmem:s22], [sflag:$0x5], $0x1200, $0x38;
	[tilespmem:$0x7D00] =	vst v63  }
0x39: {  	s23 =	sand.u32 $0x1, s28;
	s22 =	smov.u32 s25;
	_ =	swait.ge [sflag:s9], $0x1200  }
0x3a: {  	s22 =	sshll.u32 s23, $0xD;
	s25 =	smul.u32 $0x4800, s23;
	[sflag:s9] =	ssyncset.done $0x0  }
0x3b: {  	s26 =	sadd.s32 $0x1, s23;
	s22 =	sor.u32 $0x1900, s22;
	[sflag:s9] =	ssyncadd.s32 $0xFFFFEE00  }
0x3c: {  	[tilespmem:s22], [sflag:s26] =	stream.indirect.gather [hbm4b:s3+s10], $0x40, s20, s10, $0xb8;
	[tilespmem:$0x7D00] =	vst v63  }
0x3d: {  	s31 =	sand.u32 $0x1, s24;
	s26 =	sshrl.u32 s25, $0x2  }
0x3e: {  	s28 =	sadd.s32 $0x3, s23;
	s24 =	sadd.s32 $0x1, s31;
	s22 =	sadd.s32 $0x5900, s26  }
0x3f: {  	[tilespmem:s22], [sflag:s28] =	stream.indirect.gather [hbm4b:s3+s12], $0x40, s21, s12, $0xb8;
	[tilespmem:$0x7D00] =	vst v63  }
0x40: {  	_ =	swait.ge [sflag:s24], $0x2000  }
0x41: {  	[sflag:s24] =	ssyncset.done $0x0  }
0x42: {  	s29 =	sadd.s32 $0x3, s31;
	[sflag:s24] =	ssyncadd.s32 $0xFFFFE000  }
0x43: {  	_ =	swait.ge [sflag:s29], $0x1200  }
0x44: {  	s30 =	sshll.u32 s31, $0xD;
	[sflag:s29] =	ssyncset.done $0x0  }
0x45: {  	s20 =	smul.u32 $0x4800, s31;
	s22 =	sor.u32 $0x1900, s30;
	[sflag:s29] =	ssyncadd.s32 $0xFFFFEE00  }
0x46: {  	[hbm4b:s19+s2] =	stream.linear.scatter [tilespmem:s22], [sflag:$0x5], $0x2000, $0x38;
	[tilespmem:$0x7D00] =	vst v63  }
0x47: {  	_ =	swait.ge [sflag:s9], $0x2000  }
0x48: {  	s20 =	sshrl.u32 s20, $0x2;
	[sflag:s9] =	ssyncset.done $0x0  }
0x49: {  	s31 =	sadd.s32 $0x400, s19;
	s20 =	sadd.s32 $0x5900, s20;
	[sflag:s9] =	ssyncadd.s32 $0xFFFFE000  }
0x4a: {  	[hbm4b:s31+s2] =	stream.linear.scatter [tilespmem:s20], [sflag:$0x5], $0x1200, $0x38;
	[tilespmem:$0x7D00] =	vst v63  }
0x4b: {  	_ =	swait.ge [sflag:s9], $0x1200  }
0x4c: {  	[sflag:s9] =	ssyncset.done $0x0  }
0x4d: {  	[sflag:s9] =	ssyncadd.s32 $0xFFFFEE00  }
0x4e: {  	_ =	swait.ge [sflag:s14], $0x2000  }
0x4f: {  	[sflag:s14] =	ssyncset.done $0x0  }
0x50: {  	[sflag:s14] =	ssyncadd.s32 $0xFFFFE000  }
0x51: {  	_ =	swait.ge [sflag:s15], $0x1200  }
0x52: {  	[sflag:s15] =	ssyncset.done $0x0  }
0x53: {  	[sflag:s15] =	ssyncadd.s32 $0xFFFFEE00  }
0x54: {  	[hbm4b:s6+s2] =	stream.linear.scatter [tilespmem:s16], [sflag:$0x5], $0x2000, $0x38;
	[tilespmem:$0x7D00] =	vst v63  }
0x55: {  	s18 =	sadd.s32 $0x1, s18;
	_ =	swait.ge [sflag:s9], $0x2000  }
0x56: {  	p0 =	sne.s32 s18, s5;
	[sflag:s9] =	ssyncset.done $0x0  }
.Ltmp1:
0x57: {  	[sflag:s9] =	ssyncadd.s32 $0xFFFFE000;
	(pc) =	sbr.rel @p0 .LBB2_1-.Ltmp1, $4  }
0x58: {  	[hbm4b:s7+s2] =	stream.linear.scatter [tilespmem:s17], [sflag:$0x5], $0x1200, $0x38;
	[tilespmem:$0x7D00] =	vst v63  }
0x59: {  	_ =	swait.ge [sflag:s9], $0x1200  }
0x5a: {  	[sflag:s9] =	ssyncset.done $0x0  }
0x5b: {  	[sflag:s9] =	ssyncadd.s32 $0xFFFFEE00  }
0x5c: {  	_ =	sfence.sel $0x180000  }
0x5d: {  	[bflag:$0x0] =	sbarrier.arrive $0xFFFF  }
0x5e: {  	p0 =	sne.s32 s1, $0x0;
	_ =	strace $0x90000047  }
0x5f: {  	s0 =	sadd.s32 @!p0 $0x100000, s0;
	[bflag:$0x2] =	sbarrier.arrive $0xFFFF  }
0x60: {  	[sflag:s0] =	ssyncadd.tile.s32 @!p0 $0x1;
	_ =	shalt  }
.Lfunc_end2:
_tile_overlayer_lowered:
.L_overlay_start_2:
0x61: {  	(tag) =	ssettag $0x2  }
0x62: {  	s0 =	rddreg [dreg:$0x0];
	s2 =	stileid.u32  }
0x63: {  	s1 =	rddreg [dreg:$0x1];
	p0 =	sne.s32 s2, $0x0  }
0x64: {  	s3 =	rddreg [dreg:$0x2];
	[bflag:$0x3] =	sbarrier.arrive $0xFFFF;
	s2 =	simm.s32 @!p0 $0x1C05  }
0x65: {  	[timem:s3], [sflag:s2] =	dma.local @!p0 [hbm:s0], s1  }
0x66: {  	s0 =	simm.s32 @!p0 $0x5  }
0x67: {  	_ =	swait.ge @!p0 [sflag:s0], s1  }
0x68: {  	s1 =	ssub.s32 @!p0 $0x0, s1;
	[sflag:s0] =	ssyncset.done @!p0 $0x0  }
0x69: {  	[sflag:s0] =	ssyncadd.s32 @!p0 s1  }
0x6a: {  	[bflag:$0x3] =	sbarrier.arrive $0xFFFF  }
0x6b: {  	_ =	shalt  }

</sc_bundles>
